<compile_context>
chip_gen: v7x
topology: tpu7x:2x2x1
jax: 0.10.2.dev20260603
libtpu: 0.0.44.dev20260713+nightly
codegen_flags: <defaults>
</compile_context>

<pallas_src>
import functools

import jax
import jax.numpy as jnp
from jax.experimental import pallas as pl
from jax.experimental.pallas import tpu as pltpu
from jax.experimental.pallas import tpu_sc as plsc


def _body(x_hbm, w_hbm, b_hbm, out_hbm, x_s, w_s, b_s, out_s, sem):
    cp_x = pltpu.async_copy(x_hbm, x_s, sem)
    cp_w = pltpu.async_copy(w_hbm, w_s, sem)
    cp_b = pltpu.async_copy(b_hbm, b_s, sem)
    cp_x.wait()
    cp_w.wait()
    cp_b.wait()

    flat = (
        x_s[2, 0] + 2.0 * x_s[3, 0],
        x_s[2, 1] + 2.0 * x_s[3, 1],
        x_s[0, 0],
        x_s[0, 1],
        3.0 * x_s[3, 0],
        3.0 * x_s[3, 1],
    )
    for j in range(4):
        acc = b_s[j]
        for k in range(6):
            acc = acc + w_s[j, k] * flat[k]
        out_s[j] = acc
    pltpu.sync_copy(out_s, out_hbm)


@functools.partial(
    pl.kernel,
    out_type=jax.ShapeDtypeStruct((4,), jnp.float32),
    mesh=plsc.ScalarSubcoreMesh(axis_name="c", num_cores=1),
    scratch_types=[
        pltpu.SMEM((4, 2), jnp.float32),
        pltpu.SMEM((4, 6), jnp.float32),
        pltpu.SMEM((4,), jnp.float32),
        pltpu.SMEM((4,), jnp.float32),
        pltpu.SemaphoreType.DMA,
    ],
)
def _sc_kernel(x_hbm, w_hbm, b_hbm, out_hbm, x_s, w_s, b_s, out_s, sem):
    _body(x_hbm, w_hbm, b_hbm, out_hbm, x_s, w_s, b_s, out_s, sem)


def kernel(x, W, b):
    return _sc_kernel(x, W, b)

# --- scband reference (transcript-rebuilt; emitter-appended) ---
"""Pipeline reference for scband-sparse-test-11879879543418 (READ-ONLY COPY).

The authoritative reference and input builder live on the scoring server;
editing this copy changes nothing except your own understanding.
"""

import jax, jax.numpy as jnp
import numpy as np


def setup_inputs(seed: int = 0) -> dict:
    key = jax.random.key(seed)
    k1, k2, k3 = jax.random.split(key, 3)
    x = jax.random.normal(k1, (4, 2), dtype=jnp.float32)
    # nn.Linear(6, 4): weight [4, 6], bias [4], default torch init ~U(-1/sqrt(6), 1/sqrt(6))
    bound = 1.0 / np.sqrt(6.0)
    W = jax.random.uniform(k2, (4, 6), dtype=jnp.float32, minval=-bound, maxval=bound)
    b = jax.random.uniform(k3, (4,), dtype=jnp.float32, minval=-bound, maxval=bound)
    return {"x": x, "W": W, "b": b}


def reference(x, W, b):
    # Fixed sparse COO matrix S of size [3, 4]:
    # indices rows=[0,0,1,2], cols=[2,3,0,3], values=[1.,2.,1.,3.]
    rows = jnp.array([0, 0, 1, 2], dtype=jnp.int32)
    cols = jnp.array([2, 3, 0, 3], dtype=jnp.int32)
    vals = jnp.array([1.0, 2.0, 1.0, 3.0], dtype=jnp.float32)
    # spmm(S, x): gather rows of x by col index, scale by values, scatter-add into output rows
    gathered = vals[:, None] * jnp.take(x, cols, axis=0)  # [nnz, 2]
    y = jax.ops.segment_sum(gathered, rows, num_segments=3)  # [3, 2]
    flat = y.reshape(-1)  # [6]
    out = flat @ W.T + b  # [4]
    return out

if __name__ == "__main__":
    import jax
    _d = setup_inputs()
    print(jax.jit(kernel)(*tuple(_d.values())))

</pallas_src>

<mosaic_0001>
#map = affine_map<(d0) -> (0, 0)>
#map1 = affine_map<(d0) -> (0)>
module attributes {stable_mosaic.version = 14 : i64} {
  func.func @_sc_kernel(%arg0: i32, %arg1: memref<4x2xf32, #tpu.memory_space<hbm>>, %arg2: memref<4x6xf32, #tpu.memory_space<hbm>>, %arg3: memref<4xf32, #tpu.memory_space<hbm>>, %arg4: memref<4xf32, #tpu.memory_space<hbm>>, %arg5: memref<4x2xf32, #tpu.memory_space<smem>>, %arg6: memref<4x6xf32, #tpu.memory_space<smem>>, %arg7: memref<4xf32, #tpu.memory_space<smem>>, %arg8: memref<4xf32, #tpu.memory_space<smem>>, %arg9: memref<!tpu.dma_semaphore, #tpu.memory_space<semaphore_mem>>) attributes {dimension_semantics = [#tpu.dimension_semantics<core_parallel>], iteration_bounds = array<i64: 1>, scalar_prefetch = 0 : i64, scratch_operands = 5 : i64, tpu.core_type = #tpu.core_type<sc_scalar_subcore>, window_params = [{transform_indices = #map}, {transform_indices = #map}, {transform_indices = #map1}, {transform_indices = #map1}]} {
    tpu.enqueue_dma source(%arg1 : memref<4x2xf32, #tpu.memory_space<hbm>>) target(%arg5 : memref<4x2xf32, #tpu.memory_space<smem>>) target_semaphore(%arg9 : memref<!tpu.dma_semaphore, #tpu.memory_space<semaphore_mem>>)
    tpu.enqueue_dma source(%arg2 : memref<4x6xf32, #tpu.memory_space<hbm>>) target(%arg6 : memref<4x6xf32, #tpu.memory_space<smem>>) target_semaphore(%arg9 : memref<!tpu.dma_semaphore, #tpu.memory_space<semaphore_mem>>)
    tpu.enqueue_dma source(%arg3 : memref<4xf32, #tpu.memory_space<hbm>>) target(%arg7 : memref<4xf32, #tpu.memory_space<smem>>) target_semaphore(%arg9 : memref<!tpu.dma_semaphore, #tpu.memory_space<semaphore_mem>>)
    tpu.wait_dma2 semaphore(%arg9 : memref<!tpu.dma_semaphore, #tpu.memory_space<semaphore_mem>>) src(%arg1 : memref<4x2xf32, #tpu.memory_space<hbm>>) dst(%arg5 : memref<4x2xf32, #tpu.memory_space<smem>>)
    tpu.wait_dma2 semaphore(%arg9 : memref<!tpu.dma_semaphore, #tpu.memory_space<semaphore_mem>>) src(%arg2 : memref<4x6xf32, #tpu.memory_space<hbm>>) dst(%arg6 : memref<4x6xf32, #tpu.memory_space<smem>>)
    tpu.wait_dma2 semaphore(%arg9 : memref<!tpu.dma_semaphore, #tpu.memory_space<semaphore_mem>>) src(%arg3 : memref<4xf32, #tpu.memory_space<hbm>>) dst(%arg7 : memref<4xf32, #tpu.memory_space<smem>>)
    %get3A = arith.constant 2 : i32
    %get3A_0 = arith.constant 0 : i32
    %get3A_1 = arith.index_cast %get3A : i32 to index
    %get3A_2 = arith.index_cast %get3A_0 : i32 to index
    %get3A_3 = memref.load %arg5[%get3A_1, %get3A_2] : memref<4x2xf32, #tpu.memory_space<smem>>
    %get3A_4 = arith.constant 3 : i32
    %get3A_5 = arith.constant 0 : i32
    %get3A_6 = arith.index_cast %get3A_4 : i32 to index
    %get3A_7 = arith.index_cast %get3A_5 : i32 to index
    %get3A_8 = memref.load %arg5[%get3A_6, %get3A_7] : memref<4x2xf32, #tpu.memory_space<smem>>
    %mul3A = arith.constant 2.000000e+00 : f32
    %mul3A_9 = arith.mulf %mul3A, %get3A_8 : f32
    %add3A = arith.addf %get3A_3, %mul3A_9 : f32
    %get3A_10 = arith.constant 2 : i32
    %get3A_11 = arith.constant 1 : i32
    %get3A_12 = arith.index_cast %get3A_10 : i32 to index
    %get3A_13 = arith.index_cast %get3A_11 : i32 to index
    %get3A_14 = memref.load %arg5[%get3A_12, %get3A_13] : memref<4x2xf32, #tpu.memory_space<smem>>
    %get3A_15 = arith.constant 3 : i32
    %get3A_16 = arith.constant 1 : i32
    %get3A_17 = arith.index_cast %get3A_15 : i32 to index
    %get3A_18 = arith.index_cast %get3A_16 : i32 to index
    %get3A_19 = memref.load %arg5[%get3A_17, %get3A_18] : memref<4x2xf32, #tpu.memory_space<smem>>
    %mul3A_20 = arith.constant 2.000000e+00 : f32
    %mul3A_21 = arith.mulf %mul3A_20, %get3A_19 : f32
    %add3A_22 = arith.addf %get3A_14, %mul3A_21 : f32
    %get3A_23 = arith.constant 0 : i32
    %get3A_24 = arith.constant 0 : i32
    %get3A_25 = arith.index_cast %get3A_23 : i32 to index
    %get3A_26 = arith.index_cast %get3A_24 : i32 to index
    %get3A_27 = memref.load %arg5[%get3A_25, %get3A_26] : memref<4x2xf32, #tpu.memory_space<smem>>
    %get3A_28 = arith.constant 0 : i32
    %get3A_29 = arith.constant 1 : i32
    %get3A_30 = arith.index_cast %get3A_28 : i32 to index
    %get3A_31 = arith.index_cast %get3A_29 : i32 to index
    %get3A_32 = memref.load %arg5[%get3A_30, %get3A_31] : memref<4x2xf32, #tpu.memory_space<smem>>
    %get3A_33 = arith.constant 3 : i32
    %get3A_34 = arith.constant 0 : i32
    %get3A_35 = arith.index_cast %get3A_33 : i32 to index
    %get3A_36 = arith.index_cast %get3A_34 : i32 to index
    %get3A_37 = memref.load %arg5[%get3A_35, %get3A_36] : memref<4x2xf32, #tpu.memory_space<smem>>
    %mul3A_38 = arith.constant 3.000000e+00 : f32
    %mul3A_39 = arith.mulf %mul3A_38, %get3A_37 : f32
    %get3A_40 = arith.constant 3 : i32
    %get3A_41 = arith.constant 1 : i32
    %get3A_42 = arith.index_cast %get3A_40 : i32 to index
    %get3A_43 = arith.index_cast %get3A_41 : i32 to index
    %get3A_44 = memref.load %arg5[%get3A_42, %get3A_43] : memref<4x2xf32, #tpu.memory_space<smem>>
    %mul3A_45 = arith.constant 3.000000e+00 : f32
    %mul3A_46 = arith.mulf %mul3A_45, %get3A_44 : f32
    %get3A_47 = arith.constant 0 : i32
    %get3A_48 = arith.index_cast %get3A_47 : i32 to index
    %get3A_49 = memref.load %arg7[%get3A_48] : memref<4xf32, #tpu.memory_space<smem>>
    %get3A_50 = arith.constant 0 : i32
    %get3A_51 = arith.constant 0 : i32
    %get3A_52 = arith.index_cast %get3A_50 : i32 to index
    %get3A_53 = arith.index_cast %get3A_51 : i32 to index
    %get3A_54 = memref.load %arg6[%get3A_52, %get3A_53] : memref<4x6xf32, #tpu.memory_space<smem>>
    %mul3A_55 = arith.mulf %get3A_54, %add3A : f32
    %add3A_56 = arith.addf %get3A_49, %mul3A_55 : f32
    %get3A_57 = arith.constant 0 : i32
    %get3A_58 = arith.constant 1 : i32
    %get3A_59 = arith.index_cast %get3A_57 : i32 to index
    %get3A_60 = arith.index_cast %get3A_58 : i32 to index
    %get3A_61 = memref.load %arg6[%get3A_59, %get3A_60] : memref<4x6xf32, #tpu.memory_space<smem>>
    %mul3A_62 = arith.mulf %get3A_61, %add3A_22 : f32
    %add3A_63 = arith.addf %add3A_56, %mul3A_62 : f32
    %get3A_64 = arith.constant 0 : i32
    %get3A_65 = arith.constant 2 : i32
    %get3A_66 = arith.index_cast %get3A_64 : i32 to index
    %get3A_67 = arith.index_cast %get3A_65 : i32 to index
    %get3A_68 = memref.load %arg6[%get3A_66, %get3A_67] : memref<4x6xf32, #tpu.memory_space<smem>>
    %mul3A_69 = arith.mulf %get3A_68, %get3A_27 : f32
    %add3A_70 = arith.addf %add3A_63, %mul3A_69 : f32
    %get3A_71 = arith.constant 0 : i32
    %get3A_72 = arith.constant 3 : i32
    %get3A_73 = arith.index_cast %get3A_71 : i32 to index
    %get3A_74 = arith.index_cast %get3A_72 : i32 to index
    %get3A_75 = memref.load %arg6[%get3A_73, %get3A_74] : memref<4x6xf32, #tpu.memory_space<smem>>
    %mul3A_76 = arith.mulf %get3A_75, %get3A_32 : f32
    %add3A_77 = arith.addf %add3A_70, %mul3A_76 : f32
    %get3A_78 = arith.constant 0 : i32
    %get3A_79 = arith.constant 4 : i32
    %get3A_80 = arith.index_cast %get3A_78 : i32 to index
    %get3A_81 = arith.index_cast %get3A_79 : i32 to index
    %get3A_82 = memref.load %arg6[%get3A_80, %get3A_81] : memref<4x6xf32, #tpu.memory_space<smem>>
    %mul3A_83 = arith.mulf %get3A_82, %mul3A_39 : f32
    %add3A_84 = arith.addf %add3A_77, %mul3A_83 : f32
    %get3A_85 = arith.constant 0 : i32
    %get3A_86 = arith.constant 5 : i32
    %get3A_87 = arith.index_cast %get3A_85 : i32 to index
    %get3A_88 = arith.index_cast %get3A_86 : i32 to index
    %get3A_89 = memref.load %arg6[%get3A_87, %get3A_88] : memref<4x6xf32, #tpu.memory_space<smem>>
    %mul3A_90 = arith.mulf %get3A_89, %mul3A_46 : f32
    %add3A_91 = arith.addf %add3A_84, %mul3A_90 : f32
    %swap3A = arith.constant 0 : i32
    %swap3A_92 = arith.index_cast %swap3A : i32 to index
    %swap3A_93 = memref.load %arg8[%swap3A_92] : memref<4xf32, #tpu.memory_space<smem>>
    memref.store %add3A_91, %arg8[%swap3A_92] : memref<4xf32, #tpu.memory_space<smem>>
    %get3A_94 = arith.constant 1 : i32
    %get3A_95 = arith.index_cast %get3A_94 : i32 to index
    %get3A_96 = memref.load %arg7[%get3A_95] : memref<4xf32, #tpu.memory_space<smem>>
    %get3A_97 = arith.constant 1 : i32
    %get3A_98 = arith.constant 0 : i32
    %get3A_99 = arith.index_cast %get3A_97 : i32 to index
    %get3A_100 = arith.index_cast %get3A_98 : i32 to index
    %get3A_101 = memref.load %arg6[%get3A_99, %get3A_100] : memref<4x6xf32, #tpu.memory_space<smem>>
    %mul3A_102 = arith.mulf %get3A_101, %add3A : f32
    %add3A_103 = arith.addf %get3A_96, %mul3A_102 : f32
    %get3A_104 = arith.constant 1 : i32
    %get3A_105 = arith.constant 1 : i32
    %get3A_106 = arith.index_cast %get3A_104 : i32 to index
    %get3A_107 = arith.index_cast %get3A_105 : i32 to index
    %get3A_108 = memref.load %arg6[%get3A_106, %get3A_107] : memref<4x6xf32, #tpu.memory_space<smem>>
    %mul3A_109 = arith.mulf %get3A_108, %add3A_22 : f32
    %add3A_110 = arith.addf %add3A_103, %mul3A_109 : f32
    %get3A_111 = arith.constant 1 : i32
    %get3A_112 = arith.constant 2 : i32
    %get3A_113 = arith.index_cast %get3A_111 : i32 to index
    %get3A_114 = arith.index_cast %get3A_112 : i32 to index
    %get3A_115 = memref.load %arg6[%get3A_113, %get3A_114] : memref<4x6xf32, #tpu.memory_space<smem>>
    %mul3A_116 = arith.mulf %get3A_115, %get3A_27 : f32
    %add3A_117 = arith.addf %add3A_110, %mul3A_116 : f32
    %get3A_118 = arith.constant 1 : i32
    %get3A_119 = arith.constant 3 : i32
    %get3A_120 = arith.index_cast %get3A_118 : i32 to index
    %get3A_121 = arith.index_cast %get3A_119 : i32 to index
    %get3A_122 = memref.load %arg6[%get3A_120, %get3A_121] : memref<4x6xf32, #tpu.memory_space<smem>>
    %mul3A_123 = arith.mulf %get3A_122, %get3A_32 : f32
    %add3A_124 = arith.addf %add3A_117, %mul3A_123 : f32
    %get3A_125 = arith.constant 1 : i32
    %get3A_126 = arith.constant 4 : i32
    %get3A_127 = arith.index_cast %get3A_125 : i32 to index
    %get3A_128 = arith.index_cast %get3A_126 : i32 to index
    %get3A_129 = memref.load %arg6[%get3A_127, %get3A_128] : memref<4x6xf32, #tpu.memory_space<smem>>
    %mul3A_130 = arith.mulf %get3A_129, %mul3A_39 : f32
    %add3A_131 = arith.addf %add3A_124, %mul3A_130 : f32
    %get3A_132 = arith.constant 1 : i32
    %get3A_133 = arith.constant 5 : i32
    %get3A_134 = arith.index_cast %get3A_132 : i32 to index
    %get3A_135 = arith.index_cast %get3A_133 : i32 to index
    %get3A_136 = memref.load %arg6[%get3A_134, %get3A_135] : memref<4x6xf32, #tpu.memory_space<smem>>
    %mul3A_137 = arith.mulf %get3A_136, %mul3A_46 : f32
    %add3A_138 = arith.addf %add3A_131, %mul3A_137 : f32
    %swap3A_139 = arith.constant 1 : i32
    %swap3A_140 = arith.index_cast %swap3A_139 : i32 to index
    %swap3A_141 = memref.load %arg8[%swap3A_140] : memref<4xf32, #tpu.memory_space<smem>>
    memref.store %add3A_138, %arg8[%swap3A_140] : memref<4xf32, #tpu.memory_space<smem>>
    %get3A_142 = arith.constant 2 : i32
    %get3A_143 = arith.index_cast %get3A_142 : i32 to index
    %get3A_144 = memref.load %arg7[%get3A_143] : memref<4xf32, #tpu.memory_space<smem>>
    %get3A_145 = arith.constant 2 : i32
    %get3A_146 = arith.constant 0 : i32
    %get3A_147 = arith.index_cast %get3A_145 : i32 to index
    %get3A_148 = arith.index_cast %get3A_146 : i32 to index
    %get3A_149 = memref.load %arg6[%get3A_147, %get3A_148] : memref<4x6xf32, #tpu.memory_space<smem>>
    %mul3A_150 = arith.mulf %get3A_149, %add3A : f32
    %add3A_151 = arith.addf %get3A_144, %mul3A_150 : f32
    %get3A_152 = arith.constant 2 : i32
    %get3A_153 = arith.constant 1 : i32
    %get3A_154 = arith.index_cast %get3A_152 : i32 to index
    %get3A_155 = arith.index_cast %get3A_153 : i32 to index
    %get3A_156 = memref.load %arg6[%get3A_154, %get3A_155] : memref<4x6xf32, #tpu.memory_space<smem>>
    %mul3A_157 = arith.mulf %get3A_156, %add3A_22 : f32
    %add3A_158 = arith.addf %add3A_151, %mul3A_157 : f32
    %get3A_159 = arith.constant 2 : i32
    %get3A_160 = arith.constant 2 : i32
    %get3A_161 = arith.index_cast %get3A_159 : i32 to index
    %get3A_162 = arith.index_cast %get3A_160 : i32 to index
    %get3A_163 = memref.load %arg6[%get3A_161, %get3A_162] : memref<4x6xf32, #tpu.memory_space<smem>>
    %mul3A_164 = arith.mulf %get3A_163, %get3A_27 : f32
    %add3A_165 = arith.addf %add3A_158, %mul3A_164 : f32
    %get3A_166 = arith.constant 2 : i32
    %get3A_167 = arith.constant 3 : i32
    %get3A_168 = arith.index_cast %get3A_166 : i32 to index
    %get3A_169 = arith.index_cast %get3A_167 : i32 to index
    %get3A_170 = memref.load %arg6[%get3A_168, %get3A_169] : memref<4x6xf32, #tpu.memory_space<smem>>
    %mul3A_171 = arith.mulf %get3A_170, %get3A_32 : f32
    %add3A_172 = arith.addf %add3A_165, %mul3A_171 : f32
    %get3A_173 = arith.constant 2 : i32
    %get3A_174 = arith.constant 4 : i32
    %get3A_175 = arith.index_cast %get3A_173 : i32 to index
    %get3A_176 = arith.index_cast %get3A_174 : i32 to index
    %get3A_177 = memref.load %arg6[%get3A_175, %get3A_176] : memref<4x6xf32, #tpu.memory_space<smem>>
    %mul3A_178 = arith.mulf %get3A_177, %mul3A_39 : f32
    %add3A_179 = arith.addf %add3A_172, %mul3A_178 : f32
    %get3A_180 = arith.constant 2 : i32
    %get3A_181 = arith.constant 5 : i32
    %get3A_182 = arith.index_cast %get3A_180 : i32 to index
    %get3A_183 = arith.index_cast %get3A_181 : i32 to index
    %get3A_184 = memref.load %arg6[%get3A_182, %get3A_183] : memref<4x6xf32, #tpu.memory_space<smem>>
    %mul3A_185 = arith.mulf %get3A_184, %mul3A_46 : f32
    %add3A_186 = arith.addf %add3A_179, %mul3A_185 : f32
    %swap3A_187 = arith.constant 2 : i32
    %swap3A_188 = arith.index_cast %swap3A_187 : i32 to index
    %swap3A_189 = memref.load %arg8[%swap3A_188] : memref<4xf32, #tpu.memory_space<smem>>
    memref.store %add3A_186, %arg8[%swap3A_188] : memref<4xf32, #tpu.memory_space<smem>>
    %get3A_190 = arith.constant 3 : i32
    %get3A_191 = arith.index_cast %get3A_190 : i32 to index
    %get3A_192 = memref.load %arg7[%get3A_191] : memref<4xf32, #tpu.memory_space<smem>>
    %get3A_193 = arith.constant 3 : i32
    %get3A_194 = arith.constant 0 : i32
    %get3A_195 = arith.index_cast %get3A_193 : i32 to index
    %get3A_196 = arith.index_cast %get3A_194 : i32 to index
    %get3A_197 = memref.load %arg6[%get3A_195, %get3A_196] : memref<4x6xf32, #tpu.memory_space<smem>>
    %mul3A_198 = arith.mulf %get3A_197, %add3A : f32
    %add3A_199 = arith.addf %get3A_192, %mul3A_198 : f32
    %get3A_200 = arith.constant 3 : i32
    %get3A_201 = arith.constant 1 : i32
    %get3A_202 = arith.index_cast %get3A_200 : i32 to index
    %get3A_203 = arith.index_cast %get3A_201 : i32 to index
    %get3A_204 = memref.load %arg6[%get3A_202, %get3A_203] : memref<4x6xf32, #tpu.memory_space<smem>>
    %mul3A_205 = arith.mulf %get3A_204, %add3A_22 : f32
    %add3A_206 = arith.addf %add3A_199, %mul3A_205 : f32
    %get3A_207 = arith.constant 3 : i32
    %get3A_208 = arith.constant 2 : i32
    %get3A_209 = arith.index_cast %get3A_207 : i32 to index
    %get3A_210 = arith.index_cast %get3A_208 : i32 to index
    %get3A_211 = memref.load %arg6[%get3A_209, %get3A_210] : memref<4x6xf32, #tpu.memory_space<smem>>
    %mul3A_212 = arith.mulf %get3A_211, %get3A_27 : f32
    %add3A_213 = arith.addf %add3A_206, %mul3A_212 : f32
    %get3A_214 = arith.constant 3 : i32
    %get3A_215 = arith.constant 3 : i32
    %get3A_216 = arith.index_cast %get3A_214 : i32 to index
    %get3A_217 = arith.index_cast %get3A_215 : i32 to index
    %get3A_218 = memref.load %arg6[%get3A_216, %get3A_217] : memref<4x6xf32, #tpu.memory_space<smem>>
    %mul3A_219 = arith.mulf %get3A_218, %get3A_32 : f32
    %add3A_220 = arith.addf %add3A_213, %mul3A_219 : f32
    %get3A_221 = arith.constant 3 : i32
    %get3A_222 = arith.constant 4 : i32
    %get3A_223 = arith.index_cast %get3A_221 : i32 to index
    %get3A_224 = arith.index_cast %get3A_222 : i32 to index
    %get3A_225 = memref.load %arg6[%get3A_223, %get3A_224] : memref<4x6xf32, #tpu.memory_space<smem>>
    %mul3A_226 = arith.mulf %get3A_225, %mul3A_39 : f32
    %add3A_227 = arith.addf %add3A_220, %mul3A_226 : f32
    %get3A_228 = arith.constant 3 : i32
    %get3A_229 = arith.constant 5 : i32
    %get3A_230 = arith.index_cast %get3A_228 : i32 to index
    %get3A_231 = arith.index_cast %get3A_229 : i32 to index
    %get3A_232 = memref.load %arg6[%get3A_230, %get3A_231] : memref<4x6xf32, #tpu.memory_space<smem>>
    %mul3A_233 = arith.mulf %get3A_232, %mul3A_46 : f32
    %add3A_234 = arith.addf %add3A_227, %mul3A_233 : f32
    %swap3A_235 = arith.constant 3 : i32
    %swap3A_236 = arith.index_cast %swap3A_235 : i32 to index
    %swap3A_237 = memref.load %arg8[%swap3A_236] : memref<4xf32, #tpu.memory_space<smem>>
    memref.store %add3A_234, %arg8[%swap3A_236] : memref<4xf32, #tpu.memory_space<smem>>
    "tpu.region"() ({
      %run_scoped3A = tpu.sem_alloc : memref<!tpu.dma_semaphore, #tpu.memory_space<semaphore_mem>>
      tpu.enqueue_dma source(%arg8 : memref<4xf32, #tpu.memory_space<smem>>) target(%arg4 : memref<4xf32, #tpu.memory_space<hbm>>) target_semaphore(%run_scoped3A : memref<!tpu.dma_semaphore, #tpu.memory_space<semaphore_mem>>)
      tpu.wait_dma2 semaphore(%run_scoped3A : memref<!tpu.dma_semaphore, #tpu.memory_space<semaphore_mem>>) src(%arg8 : memref<4xf32, #tpu.memory_space<smem>>) dst(%arg4 : memref<4xf32, #tpu.memory_space<hbm>>)
      tpu.yield
    }) : () -> ()
    return
  }
}

</mosaic_0001>

<sc_bundles>
// kernel: kernel.3.cloned.1.call-start
scs
__scs_entry_jumppad:
0x0: {  	(pc) =	sbr.rel $0x88, $3  }
0x1: {  	(tag) =	ssettag $0x0;
	lr =	simm.s32 $0x1  }
0x2: {  	[smem:$0x3F9E] =	sst lr;
	_ =	strace $0xD0000000  }
0x3: {  	_ = 	snop  }
0x4: {  	_ = 	snop  }
0x5: {  	_ = 	snop  }
0x6: {  	_ = 	snop  }
0x7: {  	_ = 	snop  }
__scs_overlays_trampoline_lowered:
0x8: {  	[smem:$0x3FAD] =	sst s0  }
0x9: {  	[smem:$0x3FAE] =	sst s1  }
0xa: {  	[smem:$0x3FAF] =	sst s2  }
0xb: {  	[smem:$0x3FB0] =	sst s3  }
0xc: {  	[smem:$0x3FB1] =	sst s4  }
0xd: {  	[smem:$0x3FB2] =	sst s5  }
0xe: {  	[smem:$0x3FB3] =	sst s6  }
0xf: {  	[smem:$0x3FB4] =	sst s7  }
0x10: {  	[smem:$0x3FB5] =	sst s8  }
0x11: {  	[smem:$0x3FB6] =	sst s9;
	s0 =	simm.s32 @!p0 $0x0  }
0x12: {  	s1 =	sld [smem:$0x3F9C];
	s0 =	simm.s32 @p0 $0x1  }
0x13: {  	[smem:$0x3FB7] =	sst s0;
	s0 =	simm.s32 @!p1 $0x0  }
0x14: {  	s2 =	sld [smem:$0x3F9B];
	s0 =	simm.s32 @p1 $0x1  }
0x15: {  	[smem:$0x3FB8] =	sst s0;
	s0 =	simm.s32 @!p2 $0x0  }
0x16: {  	s3 =	sld [smem:$0x3FDB];
	s0 =	simm.s32 @p2 $0x1  }
0x17: {  	s4 =	simm.s32 $0x1BF5;
	[smem:$0x3FBA] =	sst s0  }
0x18: {  	s0 =	sld [smem:$0x3F9D];
	_ =	swait.ge [sflag:s4], $0x0  }
0x19: {  	s7 =	sld [smem:$0x3F9E]  }
0x1a: {  	s8 =	sadd.s32 $0xFFFFE003, lr  }
0x1b: {  	s9 =	sadd.s32 $0xFFFFFEF7, lr;
	s5 =	simm.s32 $0xFFFFFFFF;
	p2 =	slt.u32 s8, $0xFFFFF086  }
0x1c: {  	p1 =	slt.u32 s9, $0xF7A;
	s5 =	simm.s32 @!p2 $0x0  }
0x1d: {  	s5 =	simm.s32 @p1 $0x1;
	p0 =	seq.s32 s7, s2  }
0x1e: {  	s7 =	smul.u32 @!p0 $0xF7A, s2;
	p2 =	seq.s32 @!p0 s5, $0x0  }
0x1f: {  	s9 =	smul.u32 $0xF7A, s1;
	s8 =	simm.s32 @!p0 $0x1BF5;
	p2 =	por !p2, p0  }
0x20: {  	[sflag:s8] =	ssyncset.s32 @!p0 $0xFFFFF086;
	s6 =	sadd.s32 @!p0 s3, s7;
	s7 =	simm.s32 @!p0 $0x108  }
0x21: {  	s3 =	sadd.s32 s3, s9;
	s6 =	sadd.s32 @!p0 $0x88, s6;
	s7 =	simm.s32 @p2 $0x1082  }
0x22: {  	[simem:s7], [sflag:s8] =	dma.local @!p0 [hbm:s6], $0xF7A  }
0x23: {  	s9 =	sor.u32 $0xD0000000, s2;
	s6 =	simm.s32 $0x108;
	_ =	swait.ge @!p0 [sflag:s8], $0x0  }
0x24: {  	s3 =	sadd.s32 $0x88, s3;
	s6 =	simm.s32 @!p1 $0x1082;
	[sflag:s4] =	ssyncset.s32 $0xFFFFF086  }
0x25: {  	[simem:s6], [sflag:s4] =	dma.local [hbm:s3], $0xF7A  }
0x26: {  	[smem:$0x3F9E] =	sst s1;
	(tag) =	ssettag s2;
	_ =	strace s9  }
0x27: {  	s1 =	sld [smem:$0x3FAE]  }
0x28: {  	s2 =	sld [smem:$0x3FAF]  }
0x29: {  	s4 =	sld [smem:$0x3FB1]  }
0x2a: {  	p0 =	seq.s32 s5, $0x0;
	s5 =	sld [smem:$0x3FB2]  }
0x2b: {  	s6 =	sld [smem:$0x3FB3]  }
0x2c: {  	s7 =	sld [smem:$0x3FB4]  }
0x2d: {  	s3 =	simm.s32 $0x108;
	s8 =	sld [smem:$0x3FB5]  }
0x2e: {  	s3 =	simm.s32 @!p0 $0x1082;
	s9 =	sld [smem:$0x3FB6]  }
0x2f: {  	lr =	sadd.s32 s0, s3;
	s0 =	sld [smem:$0x3FAD]  }
0x30: {  	s3 =	sld [smem:$0x3FB0]  }
0x31: {  	[smem:$0x3FB9] =	sst s10  }
0x32: {  	s10 =	sld [smem:$0x3FB7];
	_ =	sdelay $0x3  }
0x33: {  	p0 =	seq.s32 s10, $0x1;
	s10 =	sld [smem:$0x3FB9];
	_ =	sdelay $0x3  }
0x34: {  	[smem:$0x3FB9] =	sst s10  }
0x35: {  	s10 =	sld [smem:$0x3FB8];
	_ =	sdelay $0x3  }
0x36: {  	p1 =	seq.s32 s10, $0x1;
	s10 =	sld [smem:$0x3FB9];
	_ =	sdelay $0x3  }
0x37: {  	[smem:$0x3FB9] =	sst s10  }
0x38: {  	s10 =	sld [smem:$0x3FBA]  }
0x39: {  	_ = 	snop;
	(pc) =	sbr.ind lr, $3  }
0x3a: {  	_ = 	snop  }
0x3b: {  	_ = 	snop  }
0x3c: {  	p2 =	seq.s32 s10, $0x1;
	s10 =	sld [smem:$0x3FB9]  }
0x3d: {  	_ =	shalt  }
0x3e: {  	_ =	shalt  }
0x3f: {  	_ =	shalt  }
0x40: {  	_ =	shalt  }
0x41: {  	_ =	shalt  }
0x42: {  	_ =	shalt  }
0x43: {  	_ =	shalt  }
0x44: {  	_ =	shalt  }
0x45: {  	_ =	shalt  }
0x46: {  	_ =	shalt  }
0x47: {  	_ =	shalt  }
0x48: {  	_ =	shalt  }
0x49: {  	_ =	shalt  }
0x4a: {  	_ =	shalt  }
0x4b: {  	_ =	shalt  }
0x4c: {  	_ =	shalt  }
0x4d: {  	_ =	shalt  }
0x4e: {  	_ =	shalt  }
0x4f: {  	_ =	shalt  }
0x50: {  	_ =	shalt  }
0x51: {  	_ =	shalt  }
0x52: {  	_ =	shalt  }
0x53: {  	_ =	shalt  }
0x54: {  	_ =	shalt  }
0x55: {  	_ =	shalt  }
0x56: {  	_ =	shalt  }
0x57: {  	_ =	shalt  }
0x58: {  	_ =	shalt  }
0x59: {  	_ =	shalt  }
0x5a: {  	_ =	shalt  }
0x5b: {  	_ =	shalt  }
0x5c: {  	_ =	shalt  }
0x5d: {  	_ =	shalt  }
0x5e: {  	_ =	shalt  }
0x5f: {  	_ =	shalt  }
0x60: {  	_ =	shalt  }
0x61: {  	_ =	shalt  }
0x62: {  	_ =	shalt  }
0x63: {  	_ =	shalt  }
0x64: {  	_ =	shalt  }
0x65: {  	_ =	shalt  }
0x66: {  	_ =	shalt  }
0x67: {  	_ =	shalt  }
0x68: {  	_ =	shalt  }
0x69: {  	_ =	shalt  }
0x6a: {  	_ =	shalt  }
0x6b: {  	_ =	shalt  }
0x6c: {  	_ =	shalt  }
0x6d: {  	_ =	shalt  }
0x6e: {  	_ =	shalt  }
0x6f: {  	_ =	shalt  }
0x70: {  	_ =	shalt  }
0x71: {  	_ =	shalt  }
0x72: {  	_ =	shalt  }
0x73: {  	_ =	shalt  }
0x74: {  	_ =	shalt  }
0x75: {  	_ =	shalt  }
0x76: {  	_ =	shalt  }
0x77: {  	_ =	shalt  }
0x78: {  	_ =	shalt  }
0x79: {  	_ =	shalt  }
0x7a: {  	_ =	shalt  }
0x7b: {  	_ =	shalt  }
0x7c: {  	_ =	shalt  }
0x7d: {  	_ =	shalt  }
0x7e: {  	_ =	shalt  }
0x7f: {  	_ =	shalt  }
0x80: {  	_ =	shalt  }
0x81: {  	_ =	shalt  }
0x82: {  	_ =	shalt  }
0x83: {  	_ =	shalt  }
0x84: {  	_ =	shalt  }
0x85: {  	_ =	shalt  }
0x86: {  	_ =	shalt  }
0x87: {  	_ =	shalt  }
.Lfunc_end0:
.L_simem_size_0:
called_computation_lowered:
.L_overlay_start_0:
0x88: {  	s0 =	sld [smem:$0x3FD9]  }
0x89: {  	s1 =	sld [smem:$0x3FFE];
	_ =	sdelay $0x3  }
0x8a: {  	s0 =	sadd.s32 s1, s0  }
0x8b: {  	[smem:$0x3FC5] =	sst s0  }
0x8c: {  	_ = 	snop  }
0x8d: {  	s15 =	sld [smem:$0x3FC8]  }
0x8e: {  	s2 =	sld [smem:$0x3FC7]  }
0x8f: {  	s0 =	sld [smem:$0x3FD0];
	(tm) =	ssettm $0x1  }
0x90: {  	s3 =	sld [smem:$0x3FFB];
	_ =	sdelay $0x3  }
0x91: {  	_ =	strace s3  }
0x92: {  	s3 =	sld [smem:$0x3FFC];
	_ =	sdelay $0x3  }
0x93: {  	_ =	strace s3  }
0x94: {  	s3 =	sld [smem:$0x3FFD];
	_ =	sdelay $0x3  }
0x95: {  	_ =	strace s3  }
0x96: {  	s16 =	simm.s32 $0x1B8B;
	_ =	strace $0x8FFFFFFF  }
0x97: {  	_ =	swait.ge [sflag:s16], $0x1  }
0x98: {  	s4 =	sld [smem:$0x3FFE]  }
0x99: {  	[sflag:s16] =	ssyncset.done $0x0  }
0x9a: {  	s17 =	simm.s32 $0x1B8E;
	s19 =	simm.s32 $0x9;
	[sflag:s16] =	ssyncadd.s32 $0xFFFFFFFF  }
0x9b: {  	s5 =	simm.s32 $0x10;
	s20 =	simm.s32 $0x210;
	[smem:$0x3FD2] =	sst s17  }
0x9c: {  	s21 =	simm.s32 $0x410;
	_ =	strace $0x80000046;
	s18 =	sadd.s32 $0x600, s4  }
0x9d: {  	[smem:s5], [sflag:s19] =	dma.local [hbm:s18], $0x40  }
0x9e: {  	[smem:s20], [sflag:s19] =	dma.local [hbm:s15], $0x40  }
0x9f: {  	[smem:s21], [sflag:s19] =	dma.local [hbm:s2], $0x10  }
0xa0: {  	_ =	swait.ge [sflag:s19], $0x40  }
0xa1: {  	[sflag:s19] =	ssyncset.done $0x0  }
0xa2: {  	[sflag:s19] =	ssyncadd.s32 $0xFFFFFFC0;
	_ =	sdelay $0x2  }
0xa3: {  	_ =	swait.ge [sflag:s19], $0x40  }
0xa4: {  	[sflag:s19] =	ssyncset.done $0x0  }
0xa5: {  	[sflag:s19] =	ssyncadd.s32 $0xFFFFFFC0;
	_ =	sdelay $0x2  }
0xa6: {  	_ =	swait.ge [sflag:s19], $0x10  }
0xa7: {  	[sflag:s19] =	ssyncset.done $0x0  }
0xa8: {  	[sflag:s19] =	ssyncadd.s32 $0xFFFFFFF0  }
0xa9: {  	s22 =	sld [smem:$0x190]  }
0xaa: {  	s6 =	sld [smem:$0x191]  }
0xab: {  	s23 =	sld [smem:$0x110]  }
0xac: {  	s24 =	sld [smem:$0x111]  }
0xad: {  	s26 =	sld [smem:$0x210]  }
0xae: {  	s28 =	sld [smem:$0x410]  }
0xaf: {  	s8 =	sld [smem:$0x211]  }
0xb0: {  	s2 =	sld [smem:$0x10]  }
0xb1: {  	s10 =	sld [smem:$0x212]  }
0xb2: {  	s25 =	sadd.f32 s22, s22  }
0xb3: {  	s7 =	sadd.f32 s6, s6  }
0xb4: {  	s4 =	sadd.f32 s25, s23  }
0xb5: {  	s3 =	sld [smem:$0x11]  }
0xb6: {  	s1 =	sadd.f32 s7, s24;
	s9 =	smul.f32 s26, s4  }
0xb7: {  	s29 =	sld [smem:$0x213]  }
0xb8: {  	s8 =	smul.f32 s8, s1;
	s7 =	sadd.f32 s9, s28  }
0xb9: {  	s31 =	sld [smem:$0x214]  }
0xba: {  	s30 =	smul.f32 s10, s2;
	s7 =	sadd.f32 s8, s7  }
0xbb: {  	s12 =	sld [smem:$0x215];
	s5 =	smul.f32 $3.000000000e+00, s22  }
0xbc: {  	s11 =	smul.f32 s29, s3;
	s7 =	sadd.f32 s30, s7  }
0xbd: {  	s6 =	smul.f32 $3.000000000e+00, s6  }
0xbe: {  	s13 =	smul.f32 s31, s5;
	s7 =	sadd.f32 s11, s7  }
0xbf: {  	_ = 	snop  }
0xc0: {  	s14 =	smul.f32 s12, s6;
	s7 =	sadd.f32 s13, s7  }
0xc1: {  	_ = 	snop  }
0xc2: {  	s7 =	sadd.f32 s14, s7;
	_ =	sdelay $0x1  }
0xc3: {  	[smem:$0x490] =	sst s7  }
0xc4: {  	s7 =	sld [smem:$0x290]  }
0xc5: {  	s15 =	sld [smem:$0x411]  }
0xc6: {  	s16 =	sld [smem:$0x291];
	_ =	sdelay $0x1  }
0xc7: {  	s17 =	sld [smem:$0x292];
	s7 =	smul.f32 s7, s4  }
0xc8: {  	s19 =	sld [smem:$0x293]  }
0xc9: {  	s18 =	smul.f32 s16, s1;
	s7 =	sadd.f32 s7, s15  }
0xca: {  	s21 =	sld [smem:$0x294]  }
0xcb: {  	s20 =	smul.f32 s17, s2;
	s7 =	sadd.f32 s18, s7  }
0xcc: {  	s23 =	sld [smem:$0x295]  }
0xcd: {  	s22 =	smul.f32 s19, s3;
	s7 =	sadd.f32 s20, s7  }
0xce: {  	_ = 	snop  }
0xcf: {  	s24 =	smul.f32 s21, s5;
	s7 =	sadd.f32 s22, s7  }
0xd0: {  	_ = 	snop  }
0xd1: {  	s25 =	smul.f32 s23, s6;
	s7 =	sadd.f32 s24, s7  }
0xd2: {  	_ = 	snop  }
0xd3: {  	s7 =	sadd.f32 s25, s7;
	_ =	sdelay $0x1  }
0xd4: {  	[smem:$0x491] =	sst s7  }
0xd5: {  	s7 =	sld [smem:$0x310]  }
0xd6: {  	s26 =	sld [smem:$0x412]  }
0xd7: {  	s28 =	sld [smem:$0x311];
	_ =	sdelay $0x1  }
0xd8: {  	s29 =	sld [smem:$0x312];
	s7 =	smul.f32 s7, s4  }
0xd9: {  	s31 =	sld [smem:$0x313]  }
0xda: {  	s30 =	smul.f32 s28, s1;
	s7 =	sadd.f32 s7, s26  }
0xdb: {  	s11 =	sld [smem:$0x314]  }
0xdc: {  	s10 =	smul.f32 s29, s2;
	s7 =	sadd.f32 s30, s7  }
0xdd: {  	s13 =	sld [smem:$0x315]  }
0xde: {  	s12 =	smul.f32 s31, s3;
	s7 =	sadd.f32 s10, s7  }
0xdf: {  	_ = 	snop  }
0xe0: {  	s14 =	smul.f32 s11, s5;
	s7 =	sadd.f32 s12, s7  }
0xe1: {  	_ = 	snop  }
0xe2: {  	s15 =	smul.f32 s13, s6;
	s7 =	sadd.f32 s14, s7  }
0xe3: {  	_ = 	snop  }
0xe4: {  	s7 =	sadd.f32 s15, s7;
	_ =	sdelay $0x1  }
0xe5: {  	[smem:$0x492] =	sst s7  }
0xe6: {  	s7 =	sld [smem:$0x390]  }
0xe7: {  	s16 =	sld [smem:$0x413]  }
0xe8: {  	s17 =	sld [smem:$0x391];
	_ =	sdelay $0x1  }
0xe9: {  	s18 =	sld [smem:$0x392];
	s4 =	smul.f32 s7, s4  }
0xea: {  	s19 =	sld [smem:$0x393]  }
0xeb: {  	s1 =	smul.f32 s17, s1;
	s4 =	sadd.f32 s4, s16  }
0xec: {  	s20 =	sld [smem:$0x394]  }
0xed: {  	s2 =	smul.f32 s18, s2;
	s1 =	sadd.f32 s1, s4  }
0xee: {  	s22 =	sld [smem:$0x395]  }
0xef: {  	s21 =	smul.f32 s19, s3;
	s1 =	sadd.f32 s2, s1  }
0xf0: {  	_ = 	snop  }
0xf1: {  	s23 =	smul.f32 s20, s5;
	s1 =	sadd.f32 s21, s1  }
0xf2: {  	_ = 	snop  }
0xf3: {  	s24 =	smul.f32 s22, s6;
	s1 =	sadd.f32 s23, s1  }
0xf4: {  	_ = 	snop  }
0xf5: {  	s1 =	sadd.f32 s24, s1;
	_ =	sdelay $0x1  }
0xf6: {  	s25 =	simm.s32 $0x490;
	s26 =	simm.s32 $0xA;
	[smem:$0x493] =	sst s1  }
0xf7: {  	[hbm:s0], [sflag:s26] =	dma.local [smem:s25], $0x10  }
0xf8: {  	_ =	swait.ge [sflag:s26], $0x10  }
0xf9: {  	[sflag:s26] =	ssyncset.done $0x0  }
0xfa: {  	[sflag:s26] =	ssyncadd.s32 $0xFFFFFFF0  }
0xfb: {  	_ =	strace $0x90000046  }
0xfc: {  	_ =	sfence  }
0xfd: {  	s28 =	sld [smem:$0x0];
	_ =	sdelay $0x1  }
0xfe: {  	s29 =	srdreg.scid  }
0xff: {  	s31 =	sshrl.u32 s29, $0x2;
	s30 =	sshll.u32 s29, $0xD  }
0x100: {  	s2 =	sand.u32 $0x4000, s30;
	s1 =	sand.u32 $0x1, s29;
	s0 =	sadd.s32 s31, s28  }
0x101: {  	s1 =	sor.u32 s2, s1;
	s0 =	sshll.u32 s0, $0x11  }
0x102: {  	s0 =	sor.u32 s0, s1  }
0x103: {  	s0 =	sadd.s32 $0x8F2B, s0;
	(pc) =	sbr.abs _section_cstart, $3  }
0x104: {  	[sflag:s0] =	ssyncadd.remote.s32 $0x1  }
0x105: {  	_ =	strace $0x9FFFFFFF  }
0x106: {  	(tm) =	ssettm $0x7FFFFFFF  }
0x107: {  	_ =	shalt  }

</sc_bundles>
